<compile_context>
chip_gen: v7x
topology: tpu7x:2x2x1
jax: 0.10.2.dev20260603
libtpu: 0.0.44.dev20260713+nightly
codegen_flags: <defaults>
</compile_context>

<pallas_src>
import functools

import jax
import jax.numpy as jnp
from jax import lax
from jax.experimental import pallas as pl
from jax.experimental.pallas import tpu as pltpu
from jax.experimental.pallas import tpu_sc as plsc

_N_FIELDS = 26
_VOCAB = 100000
_EMB_DIM = 16
_BATCH = 16384
_N_CONT = 13
_N_EMB = _N_FIELDS * _EMB_DIM

_NC, _NS = 2, 16
_NW = _NC * _NS
_B_PER_W = _BATCH // _NW
_N_FLD_PAD = 32
_N_EMB_PAD = _N_FLD_PAD * _EMB_DIM
_CHUNK = 128
_N_CHUNKS = _B_PER_W // _CHUNK


@functools.partial(
    pl.kernel,
    out_type=jax.ShapeDtypeStruct((_BATCH * _N_FLD_PAD, _EMB_DIM),
                                  jnp.float32),
    mesh=plsc.VectorSubcoreMesh(core_axis_name="c", subcore_axis_name="s"),
    compiler_params=pltpu.CompilerParams(use_tc_tiling_on_sc=False),
    scratch_types=[
        pltpu.VMEM((_CHUNK * _N_FLD_PAD,), jnp.int32),
        pltpu.VMEM((_CHUNK * _N_FLD_PAD, _EMB_DIM), jnp.float32),
        pltpu.SemaphoreType.DMA,
    ],
)
def _gather_sc(idx_hbm, tables_hbm, out_hbm, idx_v, rows_v, sem):
    wid = lax.axis_index("s") * _NC + lax.axis_index("c")
    base = wid * _B_PER_W
    for c in range(_N_CHUNKS):
        row0 = (base + c * _CHUNK) * _N_FLD_PAD
        pltpu.sync_copy(
            idx_hbm.at[pl.ds(row0, _CHUNK * _N_FLD_PAD)], idx_v)
        pltpu.async_copy(tables_hbm.at[idx_v], rows_v, sem).wait()
        pltpu.sync_copy(rows_v, out_hbm.at[pl.ds(row0, _CHUNK * _N_FLD_PAD), :])


def _mlp_body(emb_ref, xc_ref, w1e_ref, w1c_ref, b1_ref, w2_ref, b2_ref,
              w3_ref, b3_ref, out_ref):
    cdims = (((1,), (1,)), ((), ()))
    h = lax.dot_general(emb_ref[...], w1e_ref[...], cdims,
                        preferred_element_type=jnp.float32)
    h += lax.dot_general(xc_ref[...], w1c_ref[...], cdims,
                         preferred_element_type=jnp.float32)
    h = jnp.maximum(h + b1_ref[...], 0.0)
    h = jnp.maximum(
        lax.dot_general(h, w2_ref[...], cdims,
                        preferred_element_type=jnp.float32) + b2_ref[...], 0.0)
    y = lax.dot_general(h, w3_ref[...], cdims,
                        preferred_element_type=jnp.float32)
    out_ref[...] = y[:, 0:1] + b3_ref[0, 0]


_MLP_BLK = 2048


def _mlp_tc(emb, x_cont, w1e, w1c, b1, w2, b2, w3, b3):
    grid = (_BATCH // _MLP_BLK,)
    full = lambda shape: pl.BlockSpec(shape, lambda i: (0, 0))
    return pl.pallas_call(
        _mlp_body,
        grid=grid,
        in_specs=[
            pl.BlockSpec((_MLP_BLK, _N_EMB_PAD), lambda i: (i, 0)),
            pl.BlockSpec((_MLP_BLK, _N_CONT), lambda i: (i, 0)),
            full(w1e.shape), full(w1c.shape), full(b1.shape),
            full(w2.shape), full(b2.shape), full(w3.shape),
            pl.BlockSpec(memory_space=pltpu.SMEM),
        ],
        out_specs=pl.BlockSpec((_MLP_BLK, 1), lambda i: (i, 0)),
        out_shape=jax.ShapeDtypeStruct((_BATCH, 1), jnp.float32),
    )(emb, x_cont, w1e, w1c, b1, w2, b2, w3, b3)


def kernel(x_cat, x_cont, tables, W1, b1, W2, b2, W3, b3):
    xc = jnp.asarray(x_cat, jnp.int32)
    offs = jnp.arange(_N_FIELDS, dtype=jnp.int32) * _VOCAB
    idx32 = jnp.concatenate(
        [xc + offs, jnp.zeros((_BATCH, _N_FLD_PAD - _N_FIELDS), jnp.int32)],
        axis=1)
    idx_flat = idx32.reshape(-1)
    rows = _gather_sc(idx_flat, tables.reshape(_N_FIELDS * _VOCAB, _EMB_DIM))
    emb = rows.reshape(_BATCH, _N_EMB_PAD)
    w1e = jnp.pad(W1[:, :_N_EMB], ((0, 0), (0, _N_EMB_PAD - _N_EMB)))
    w1c = W1[:, _N_EMB:]
    w3 = jnp.pad(W3, ((0, 7), (0, 0)))
    return _mlp_tc(emb, x_cont, w1e, w1c, b1.reshape(1, -1), W2,
                   b2.reshape(1, -1), w3, b3.reshape(1, -1))

# --- scband reference (transcript-rebuilt; emitter-appended) ---
"""Pipeline reference for scband-regression-model-58153857188456 (READ-ONLY COPY).

The authoritative reference and input builder live on the scoring server;
editing this copy changes nothing except your own understanding.
"""

import jax, jax.numpy as jnp
import numpy as np

N_FIELDS = 26
VOCAB = 100000
EMB_DIM = 16
BATCH = 16384
N_CONT = 13
N_EMB = N_FIELDS * EMB_DIM  # 416


def setup_inputs(seed: int = 0) -> dict:
    key = jax.random.key(seed)
    ks = jax.random.split(key, 10)
    x_cat = jax.random.randint(ks[0], (BATCH, N_FIELDS), 0, VOCAB, dtype=jnp.int64 if jax.config.jax_enable_x64 else jnp.int32)
    x_cont = jax.random.normal(ks[1], (BATCH, N_CONT), dtype=jnp.float32)
    # learned params
    tables = jax.random.normal(ks[2], (N_FIELDS, VOCAB, EMB_DIM), dtype=jnp.float32) * 0.01
    d_in = N_EMB + N_CONT  # 429
    W1 = jax.random.normal(ks[3], (20, d_in), dtype=jnp.float32) * (1.0 / np.sqrt(d_in))
    b1 = jnp.zeros((20,), dtype=jnp.float32)
    W2 = jax.random.normal(ks[4], (20, 20), dtype=jnp.float32) * (1.0 / np.sqrt(20))
    b2 = jnp.zeros((20,), dtype=jnp.float32)
    W3 = jax.random.normal(ks[5], (1, 20), dtype=jnp.float32) * (1.0 / np.sqrt(20))
    b3 = jnp.zeros((1,), dtype=jnp.float32)
    return {"x_cat": x_cat, "x_cont": x_cont, "tables": tables,
            "W1": W1, "b1": b1, "W2": W2, "b2": b2, "W3": W3, "b3": b3}


def reference(x_cat, x_cont, tables, W1, b1, W2, b2, W3, b3):
    # per-field embedding lookup (gather), then concat -> [B, 26*16]
    embs = [jnp.take(tables[i], x_cat[:, i], axis=0) for i in range(N_FIELDS)]
    out = jnp.concatenate(embs, axis=1)
    out = jnp.concatenate([out, x_cont], axis=1)
    out = jax.nn.relu(out @ W1.T + b1)
    out = jax.nn.relu(out @ W2.T + b2)
    out = out @ W3.T + b3
    return out

if __name__ == "__main__":
    import jax
    _d = setup_inputs()
    print(jax.jit(kernel)(*tuple(_d.values())))

</pallas_src>

<mosaic_0001>
#map = affine_map<(d0, d1) -> (0)>
#map1 = affine_map<(d0, d1) -> (0, 0)>
module attributes {stable_mosaic.version = 14 : i64} {
  func.func @_gather_sc(%arg0: i32, %arg1: i32, %arg2: memref<524288xi32, #tpu.memory_space<hbm>>, %arg3: memref<2600000x16xf32, #tpu.memory_space<hbm>>, %arg4: memref<524288x16xf32, #tpu.memory_space<hbm>>, %arg5: memref<4096xi32, #tpu.memory_space<vmem>>, %arg6: memref<4096x16xf32, #tpu.memory_space<vmem>>, %arg7: memref<!tpu.dma_semaphore, #tpu.memory_space<semaphore_mem>>) attributes {dimension_semantics = [#tpu.dimension_semantics<core_parallel>, #tpu.dimension_semantics<subcore_parallel>], iteration_bounds = array<i64: 2, 16>, scalar_prefetch = 0 : i64, scratch_operands = 3 : i64, tpu.core_type = #tpu.core_type<sc_vector_subcore>, window_params = [{transform_indices = #map}, {transform_indices = #map1}, {transform_indices = #map1}]} {
    %mul3A = arith.constant 2 : i32
    %mul3A_0 = arith.muli %arg1, %mul3A : i32
    %add3A = arith.addi %mul3A_0, %arg0 : i32
    %mul3A_1 = arith.constant 512 : i32
    %mul3A_2 = arith.muli %add3A, %mul3A_1 : i32
    %add3A_3 = arith.constant 0 : i32
    %add3A_4 = arith.addi %mul3A_2, %add3A_3 : i32
    %mul3A_5 = arith.constant 32 : i32
    %mul3A_6 = arith.muli %add3A_4, %mul3A_5 : i32
    "tpu.region"() ({
      %run_scoped3A = tpu.sem_alloc : memref<!tpu.dma_semaphore, #tpu.memory_space<semaphore_mem>>
      %dma_start3A_41 = tpu.memref_slice %arg2[%mul3A_6] : memref<524288xi32, #tpu.memory_space<hbm>> -> memref<4096xi32, #tpu.memory_space<hbm>>
      %dma_start3A_42 = tpu.memref_slice %arg2[%mul3A_6] : memref<524288xi32, #tpu.memory_space<hbm>> -> memref<4096xi32, #tpu.memory_space<hbm>>
      tpu.enqueue_dma source(%dma_start3A_42 : memref<4096xi32, #tpu.memory_space<hbm>>) target(%arg5 : memref<4096xi32, #tpu.memory_space<vmem>>) target_semaphore(%run_scoped3A : memref<!tpu.dma_semaphore, #tpu.memory_space<semaphore_mem>>)
      %dma_wait3A_43 = tpu.memref_slice %arg2[%mul3A_6] : memref<524288xi32, #tpu.memory_space<hbm>> -> memref<4096xi32, #tpu.memory_space<hbm>>
      %dma_wait3A_44 = tpu.memref_slice %arg2[%mul3A_6] : memref<524288xi32, #tpu.memory_space<hbm>> -> memref<4096xi32, #tpu.memory_space<hbm>>
      tpu.wait_dma2 semaphore(%run_scoped3A : memref<!tpu.dma_semaphore, #tpu.memory_space<semaphore_mem>>) src(%dma_wait3A_44 : memref<4096xi32, #tpu.memory_space<hbm>>) dst(%arg5 : memref<4096xi32, #tpu.memory_space<vmem>>)
      tpu.yield
    }) : () -> ()
    %dma_start3A = arith.constant 0 : i32
    %dma_start3A_7 = arith.constant 0 : i32
    %dma_start3A_8 = tpu.memref_slice %arg3[%dma_start3A, %dma_start3A_7] : memref<2600000x16xf32, #tpu.memory_space<hbm>> -> memref<2600000x16xf32, #tpu.memory_space<hbm>>
    tpu.enqueue_indirect_dma source(%dma_start3A_8 : memref<2600000x16xf32, #tpu.memory_space<hbm>>) target(%arg6 : memref<4096x16xf32, #tpu.memory_space<vmem>>) offsets(%arg5 : memref<4096xi32, #tpu.memory_space<vmem>>) semaphore(%arg7 : memref<!tpu.dma_semaphore, #tpu.memory_space<semaphore_mem>>)
    %dma_wait3A = arith.constant 0 : i32
    %dma_wait3A_9 = arith.constant 0 : i32
    %dma_wait3A_10 = tpu.memref_slice %arg3[%dma_wait3A, %dma_wait3A_9] : memref<2600000x16xf32, #tpu.memory_space<hbm>> -> memref<2600000x16xf32, #tpu.memory_space<hbm>>
    tpu.wait_indirect_dma semaphore(%arg7 : memref<!tpu.dma_semaphore, #tpu.memory_space<semaphore_mem>>) src(%dma_wait3A_10 : memref<2600000x16xf32, #tpu.memory_space<hbm>>) dst(%arg6 : memref<4096x16xf32, #tpu.memory_space<vmem>>)
    "tpu.region"() ({
      %run_scoped3A = tpu.sem_alloc : memref<!tpu.dma_semaphore, #tpu.memory_space<semaphore_mem>>
      %dma_start3A_41 = arith.constant 0 : i32
      %dma_start3A_42 = tpu.memref_slice %arg4[%mul3A_6, %dma_start3A_41] : memref<524288x16xf32, #tpu.memory_space<hbm>> -> memref<4096x16xf32, #tpu.memory_space<hbm>>
      %dma_start3A_43 = arith.constant 0 : i32
      %dma_start3A_44 = tpu.memref_slice %arg4[%mul3A_6, %dma_start3A_43] : memref<524288x16xf32, #tpu.memory_space<hbm>> -> memref<4096x16xf32, #tpu.memory_space<hbm>>
      tpu.enqueue_dma source(%arg6 : memref<4096x16xf32, #tpu.memory_space<vmem>>) target(%dma_start3A_44 : memref<4096x16xf32, #tpu.memory_space<hbm>>) target_semaphore(%run_scoped3A : memref<!tpu.dma_semaphore, #tpu.memory_space<semaphore_mem>>)
      %dma_wait3A_45 = arith.constant 0 : i32
      %dma_wait3A_46 = tpu.memref_slice %arg4[%mul3A_6, %dma_wait3A_45] : memref<524288x16xf32, #tpu.memory_space<hbm>> -> memref<4096x16xf32, #tpu.memory_space<hbm>>
      %dma_wait3A_47 = arith.constant 0 : i32
      %dma_wait3A_48 = tpu.memref_slice %arg4[%mul3A_6, %dma_wait3A_47] : memref<524288x16xf32, #tpu.memory_space<hbm>> -> memref<4096x16xf32, #tpu.memory_space<hbm>>
      tpu.wait_dma2 semaphore(%run_scoped3A : memref<!tpu.dma_semaphore, #tpu.memory_space<semaphore_mem>>) src(%arg6 : memref<4096x16xf32, #tpu.memory_space<vmem>>) dst(%dma_wait3A_48 : memref<4096x16xf32, #tpu.memory_space<hbm>>)
      tpu.yield
    }) : () -> ()
    %add3A_11 = arith.constant 128 : i32
    %add3A_12 = arith.addi %mul3A_2, %add3A_11 : i32
    %mul3A_13 = arith.constant 32 : i32
    %mul3A_14 = arith.muli %add3A_12, %mul3A_13 : i32
    "tpu.region"() ({
      %run_scoped3A = tpu.sem_alloc : memref<!tpu.dma_semaphore, #tpu.memory_space<semaphore_mem>>
      %dma_start3A_41 = tpu.memref_slice %arg2[%mul3A_14] : memref<524288xi32, #tpu.memory_space<hbm>> -> memref<4096xi32, #tpu.memory_space<hbm>>
      %dma_start3A_42 = tpu.memref_slice %arg2[%mul3A_14] : memref<524288xi32, #tpu.memory_space<hbm>> -> memref<4096xi32, #tpu.memory_space<hbm>>
      tpu.enqueue_dma source(%dma_start3A_42 : memref<4096xi32, #tpu.memory_space<hbm>>) target(%arg5 : memref<4096xi32, #tpu.memory_space<vmem>>) target_semaphore(%run_scoped3A : memref<!tpu.dma_semaphore, #tpu.memory_space<semaphore_mem>>)
      %dma_wait3A_43 = tpu.memref_slice %arg2[%mul3A_14] : memref<524288xi32, #tpu.memory_space<hbm>> -> memref<4096xi32, #tpu.memory_space<hbm>>
      %dma_wait3A_44 = tpu.memref_slice %arg2[%mul3A_14] : memref<524288xi32, #tpu.memory_space<hbm>> -> memref<4096xi32, #tpu.memory_space<hbm>>
      tpu.wait_dma2 semaphore(%run_scoped3A : memref<!tpu.dma_semaphore, #tpu.memory_space<semaphore_mem>>) src(%dma_wait3A_44 : memref<4096xi32, #tpu.memory_space<hbm>>) dst(%arg5 : memref<4096xi32, #tpu.memory_space<vmem>>)
      tpu.yield
    }) : () -> ()
    %dma_start3A_15 = arith.constant 0 : i32
    %dma_start3A_16 = arith.constant 0 : i32
    %dma_start3A_17 = tpu.memref_slice %arg3[%dma_start3A_15, %dma_start3A_16] : memref<2600000x16xf32, #tpu.memory_space<hbm>> -> memref<2600000x16xf32, #tpu.memory_space<hbm>>
    tpu.enqueue_indirect_dma source(%dma_start3A_17 : memref<2600000x16xf32, #tpu.memory_space<hbm>>) target(%arg6 : memref<4096x16xf32, #tpu.memory_space<vmem>>) offsets(%arg5 : memref<4096xi32, #tpu.memory_space<vmem>>) semaphore(%arg7 : memref<!tpu.dma_semaphore, #tpu.memory_space<semaphore_mem>>)
    %dma_wait3A_18 = arith.constant 0 : i32
    %dma_wait3A_19 = arith.constant 0 : i32
    %dma_wait3A_20 = tpu.memref_slice %arg3[%dma_wait3A_18, %dma_wait3A_19] : memref<2600000x16xf32, #tpu.memory_space<hbm>> -> memref<2600000x16xf32, #tpu.memory_space<hbm>>
    tpu.wait_indirect_dma semaphore(%arg7 : memref<!tpu.dma_semaphore, #tpu.memory_space<semaphore_mem>>) src(%dma_wait3A_20 : memref<2600000x16xf32, #tpu.memory_space<hbm>>) dst(%arg6 : memref<4096x16xf32, #tpu.memory_space<vmem>>)
    "tpu.region"() ({
      %run_scoped3A = tpu.sem_alloc : memref<!tpu.dma_semaphore, #tpu.memory_space<semaphore_mem>>
      %dma_start3A_41 = arith.constant 0 : i32
      %dma_start3A_42 = tpu.memref_slice %arg4[%mul3A_14, %dma_start3A_41] : memref<524288x16xf32, #tpu.memory_space<hbm>> -> memref<4096x16xf32, #tpu.memory_space<hbm>>
      %dma_start3A_43 = arith.constant 0 : i32
      %dma_start3A_44 = tpu.memref_slice %arg4[%mul3A_14, %dma_start3A_43] : memref<524288x16xf32, #tpu.memory_space<hbm>> -> memref<4096x16xf32, #tpu.memory_space<hbm>>
      tpu.enqueue_dma source(%arg6 : memref<4096x16xf32, #tpu.memory_space<vmem>>) target(%dma_start3A_44 : memref<4096x16xf32, #tpu.memory_space<hbm>>) target_semaphore(%run_scoped3A : memref<!tpu.dma_semaphore, #tpu.memory_space<semaphore_mem>>)
      %dma_wait3A_45 = arith.constant 0 : i32
      %dma_wait3A_46 = tpu.memref_slice %arg4[%mul3A_14, %dma_wait3A_45] : memref<524288x16xf32, #tpu.memory_space<hbm>> -> memref<4096x16xf32, #tpu.memory_space<hbm>>
      %dma_wait3A_47 = arith.constant 0 : i32
      %dma_wait3A_48 = tpu.memref_slice %arg4[%mul3A_14, %dma_wait3A_47] : memref<524288x16xf32, #tpu.memory_space<hbm>> -> memref<4096x16xf32, #tpu.memory_space<hbm>>
      tpu.wait_dma2 semaphore(%run_scoped3A : memref<!tpu.dma_semaphore, #tpu.memory_space<semaphore_mem>>) src(%arg6 : memref<4096x16xf32, #tpu.memory_space<vmem>>) dst(%dma_wait3A_48 : memref<4096x16xf32, #tpu.memory_space<hbm>>)
      tpu.yield
    }) : () -> ()
    %add3A_21 = arith.constant 256 : i32
    %add3A_22 = arith.addi %mul3A_2, %add3A_21 : i32
    %mul3A_23 = arith.constant 32 : i32
    %mul3A_24 = arith.muli %add3A_22, %mul3A_23 : i32
    "tpu.region"() ({
      %run_scoped3A = tpu.sem_alloc : memref<!tpu.dma_semaphore, #tpu.memory_space<semaphore_mem>>
      %dma_start3A_41 = tpu.memref_slice %arg2[%mul3A_24] : memref<524288xi32, #tpu.memory_space<hbm>> -> memref<4096xi32, #tpu.memory_space<hbm>>
      %dma_start3A_42 = tpu.memref_slice %arg2[%mul3A_24] : memref<524288xi32, #tpu.memory_space<hbm>> -> memref<4096xi32, #tpu.memory_space<hbm>>
      tpu.enqueue_dma source(%dma_start3A_42 : memref<4096xi32, #tpu.memory_space<hbm>>) target(%arg5 : memref<4096xi32, #tpu.memory_space<vmem>>) target_semaphore(%run_scoped3A : memref<!tpu.dma_semaphore, #tpu.memory_space<semaphore_mem>>)
      %dma_wait3A_43 = tpu.memref_slice %arg2[%mul3A_24] : memref<524288xi32, #tpu.memory_space<hbm>> -> memref<4096xi32, #tpu.memory_space<hbm>>
      %dma_wait3A_44 = tpu.memref_slice %arg2[%mul3A_24] : memref<524288xi32, #tpu.memory_space<hbm>> -> memref<4096xi32, #tpu.memory_space<hbm>>
      tpu.wait_dma2 semaphore(%run_scoped3A : memref<!tpu.dma_semaphore, #tpu.memory_space<semaphore_mem>>) src(%dma_wait3A_44 : memref<4096xi32, #tpu.memory_space<hbm>>) dst(%arg5 : memref<4096xi32, #tpu.memory_space<vmem>>)
      tpu.yield
    }) : () -> ()
    %dma_start3A_25 = arith.constant 0 : i32
    %dma_start3A_26 = arith.constant 0 : i32
    %dma_start3A_27 = tpu.memref_slice %arg3[%dma_start3A_25, %dma_start3A_26] : memref<2600000x16xf32, #tpu.memory_space<hbm>> -> memref<2600000x16xf32, #tpu.memory_space<hbm>>
    tpu.enqueue_indirect_dma source(%dma_start3A_27 : memref<2600000x16xf32, #tpu.memory_space<hbm>>) target(%arg6 : memref<4096x16xf32, #tpu.memory_space<vmem>>) offsets(%arg5 : memref<4096xi32, #tpu.memory_space<vmem>>) semaphore(%arg7 : memref<!tpu.dma_semaphore, #tpu.memory_space<semaphore_mem>>)
    %dma_wait3A_28 = arith.constant 0 : i32
    %dma_wait3A_29 = arith.constant 0 : i32
    %dma_wait3A_30 = tpu.memref_slice %arg3[%dma_wait3A_28, %dma_wait3A_29] : memref<2600000x16xf32, #tpu.memory_space<hbm>> -> memref<2600000x16xf32, #tpu.memory_space<hbm>>
    tpu.wait_indirect_dma semaphore(%arg7 : memref<!tpu.dma_semaphore, #tpu.memory_space<semaphore_mem>>) src(%dma_wait3A_30 : memref<2600000x16xf32, #tpu.memory_space<hbm>>) dst(%arg6 : memref<4096x16xf32, #tpu.memory_space<vmem>>)
    "tpu.region"() ({
      %run_scoped3A = tpu.sem_alloc : memref<!tpu.dma_semaphore, #tpu.memory_space<semaphore_mem>>
      %dma_start3A_41 = arith.constant 0 : i32
      %dma_start3A_42 = tpu.memref_slice %arg4[%mul3A_24, %dma_start3A_41] : memref<524288x16xf32, #tpu.memory_space<hbm>> -> memref<4096x16xf32, #tpu.memory_space<hbm>>
      %dma_start3A_43 = arith.constant 0 : i32
      %dma_start3A_44 = tpu.memref_slice %arg4[%mul3A_24, %dma_start3A_43] : memref<524288x16xf32, #tpu.memory_space<hbm>> -> memref<4096x16xf32, #tpu.memory_space<hbm>>
      tpu.enqueue_dma source(%arg6 : memref<4096x16xf32, #tpu.memory_space<vmem>>) target(%dma_start3A_44 : memref<4096x16xf32, #tpu.memory_space<hbm>>) target_semaphore(%run_scoped3A : memref<!tpu.dma_semaphore, #tpu.memory_space<semaphore_mem>>)
      %dma_wait3A_45 = arith.constant 0 : i32
      %dma_wait3A_46 = tpu.memref_slice %arg4[%mul3A_24, %dma_wait3A_45] : memref<524288x16xf32, #tpu.memory_space<hbm>> -> memref<4096x16xf32, #tpu.memory_space<hbm>>
      %dma_wait3A_47 = arith.constant 0 : i32
      %dma_wait3A_48 = tpu.memref_slice %arg4[%mul3A_24, %dma_wait3A_47] : memref<524288x16xf32, #tpu.memory_space<hbm>> -> memref<4096x16xf32, #tpu.memory_space<hbm>>
      tpu.wait_dma2 semaphore(%run_scoped3A : memref<!tpu.dma_semaphore, #tpu.memory_space<semaphore_mem>>) src(%arg6 : memref<4096x16xf32, #tpu.memory_space<vmem>>) dst(%dma_wait3A_48 : memref<4096x16xf32, #tpu.memory_space<hbm>>)
      tpu.yield
    }) : () -> ()
    %add3A_31 = arith.constant 384 : i32
    %add3A_32 = arith.addi %mul3A_2, %add3A_31 : i32
    %mul3A_33 = arith.constant 32 : i32
    %mul3A_34 = arith.muli %add3A_32, %mul3A_33 : i32
    "tpu.region"() ({
      %run_scoped3A = tpu.sem_alloc : memref<!tpu.dma_semaphore, #tpu.memory_space<semaphore_mem>>
      %dma_start3A_41 = tpu.memref_slice %arg2[%mul3A_34] : memref<524288xi32, #tpu.memory_space<hbm>> -> memref<4096xi32, #tpu.memory_space<hbm>>
      %dma_start3A_42 = tpu.memref_slice %arg2[%mul3A_34] : memref<524288xi32, #tpu.memory_space<hbm>> -> memref<4096xi32, #tpu.memory_space<hbm>>
      tpu.enqueue_dma source(%dma_start3A_42 : memref<4096xi32, #tpu.memory_space<hbm>>) target(%arg5 : memref<4096xi32, #tpu.memory_space<vmem>>) target_semaphore(%run_scoped3A : memref<!tpu.dma_semaphore, #tpu.memory_space<semaphore_mem>>)
      %dma_wait3A_43 = tpu.memref_slice %arg2[%mul3A_34] : memref<524288xi32, #tpu.memory_space<hbm>> -> memref<4096xi32, #tpu.memory_space<hbm>>
      %dma_wait3A_44 = tpu.memref_slice %arg2[%mul3A_34] : memref<524288xi32, #tpu.memory_space<hbm>> -> memref<4096xi32, #tpu.memory_space<hbm>>
      tpu.wait_dma2 semaphore(%run_scoped3A : memref<!tpu.dma_semaphore, #tpu.memory_space<semaphore_mem>>) src(%dma_wait3A_44 : memref<4096xi32, #tpu.memory_space<hbm>>) dst(%arg5 : memref<4096xi32, #tpu.memory_space<vmem>>)
      tpu.yield
    }) : () -> ()
    %dma_start3A_35 = arith.constant 0 : i32
    %dma_start3A_36 = arith.constant 0 : i32
    %dma_start3A_37 = tpu.memref_slice %arg3[%dma_start3A_35, %dma_start3A_36] : memref<2600000x16xf32, #tpu.memory_space<hbm>> -> memref<2600000x16xf32, #tpu.memory_space<hbm>>
    tpu.enqueue_indirect_dma source(%dma_start3A_37 : memref<2600000x16xf32, #tpu.memory_space<hbm>>) target(%arg6 : memref<4096x16xf32, #tpu.memory_space<vmem>>) offsets(%arg5 : memref<4096xi32, #tpu.memory_space<vmem>>) semaphore(%arg7 : memref<!tpu.dma_semaphore, #tpu.memory_space<semaphore_mem>>)
    %dma_wait3A_38 = arith.constant 0 : i32
    %dma_wait3A_39 = arith.constant 0 : i32
    %dma_wait3A_40 = tpu.memref_slice %arg3[%dma_wait3A_38, %dma_wait3A_39] : memref<2600000x16xf32, #tpu.memory_space<hbm>> -> memref<2600000x16xf32, #tpu.memory_space<hbm>>
    tpu.wait_indirect_dma semaphore(%arg7 : memref<!tpu.dma_semaphore, #tpu.memory_space<semaphore_mem>>) src(%dma_wait3A_40 : memref<2600000x16xf32, #tpu.memory_space<hbm>>) dst(%arg6 : memref<4096x16xf32, #tpu.memory_space<vmem>>)
    "tpu.region"() ({
      %run_scoped3A = tpu.sem_alloc : memref<!tpu.dma_semaphore, #tpu.memory_space<semaphore_mem>>
      %dma_start3A_41 = arith.constant 0 : i32
      %dma_start3A_42 = tpu.memref_slice %arg4[%mul3A_34, %dma_start3A_41] : memref<524288x16xf32, #tpu.memory_space<hbm>> -> memref<4096x16xf32, #tpu.memory_space<hbm>>
      %dma_start3A_43 = arith.constant 0 : i32
      %dma_start3A_44 = tpu.memref_slice %arg4[%mul3A_34, %dma_start3A_43] : memref<524288x16xf32, #tpu.memory_space<hbm>> -> memref<4096x16xf32, #tpu.memory_space<hbm>>
      tpu.enqueue_dma source(%arg6 : memref<4096x16xf32, #tpu.memory_space<vmem>>) target(%dma_start3A_44 : memref<4096x16xf32, #tpu.memory_space<hbm>>) target_semaphore(%run_scoped3A : memref<!tpu.dma_semaphore, #tpu.memory_space<semaphore_mem>>)
      %dma_wait3A_45 = arith.constant 0 : i32
      %dma_wait3A_46 = tpu.memref_slice %arg4[%mul3A_34, %dma_wait3A_45] : memref<524288x16xf32, #tpu.memory_space<hbm>> -> memref<4096x16xf32, #tpu.memory_space<hbm>>
      %dma_wait3A_47 = arith.constant 0 : i32
      %dma_wait3A_48 = tpu.memref_slice %arg4[%mul3A_34, %dma_wait3A_47] : memref<524288x16xf32, #tpu.memory_space<hbm>> -> memref<4096x16xf32, #tpu.memory_space<hbm>>
      tpu.wait_dma2 semaphore(%run_scoped3A : memref<!tpu.dma_semaphore, #tpu.memory_space<semaphore_mem>>) src(%arg6 : memref<4096x16xf32, #tpu.memory_space<vmem>>) dst(%dma_wait3A_48 : memref<4096x16xf32, #tpu.memory_space<hbm>>)
      tpu.yield
    }) : () -> ()
    return
  }
}

module attributes {stable_mosaic.version = 14 : i64} {
  func.func @_mlp_body(%arg0: i32, %arg1: memref<2048x512xf32, #tpu.memory_space<vmem>>, %arg2: memref<2048x13xf32, #tpu.memory_space<vmem>>, %arg3: memref<20x512xf32, #tpu.memory_space<vmem>>, %arg4: memref<20x13xf32, #tpu.memory_space<vmem>>, %arg5: memref<1x20xf32, #tpu.memory_space<vmem>>, %arg6: memref<20x20xf32, #tpu.memory_space<vmem>>, %arg7: memref<1x20xf32, #tpu.memory_space<vmem>>, %arg8: memref<8x20xf32, #tpu.memory_space<vmem>>, %arg9: memref<1x1xf32, #tpu.memory_space<smem>>, %arg10: memref<2048x1xf32, #tpu.memory_space<vmem>>) attributes {dimension_semantics = [#tpu.dimension_semantics<arbitrary>], iteration_bounds = array<i64: 8>, scalar_prefetch = 0 : i64, scratch_operands = 0 : i64, tpu.core_type = #tpu.core_type<tc>, window_params = [{transform_indices = @transform_0, window_bounds = array<i64: 2048, 512>}, {transform_indices = @transform_1, window_bounds = array<i64: 2048, 13>}, {pipeline_mode = #tpu.pipeline_mode<synchronous>, transform_indices = @transform_2, window_bounds = array<i64: 20, 512>}, {pipeline_mode = #tpu.pipeline_mode<synchronous>, transform_indices = @transform_3, window_bounds = array<i64: 20, 13>}, {pipeline_mode = #tpu.pipeline_mode<synchronous>, transform_indices = @transform_4, window_bounds = array<i64: 1, 20>}, {pipeline_mode = #tpu.pipeline_mode<synchronous>, transform_indices = @transform_5, window_bounds = array<i64: 20, 20>}, {pipeline_mode = #tpu.pipeline_mode<synchronous>, transform_indices = @transform_6, window_bounds = array<i64: 1, 20>}, {pipeline_mode = #tpu.pipeline_mode<synchronous>, transform_indices = @transform_7, window_bounds = array<i64: 8, 20>}, {transform_indices = @transform_8, window_bounds = array<i64: 1, 1>}, {transform_indices = @transform_9, window_bounds = array<i64: 2048, 1>}]} {
    %get3A = arith.constant 0 : index
    %get3A_0 = arith.constant 0 : index
    %get3A_1 = vector.load %arg1[%get3A, %get3A_0] : memref<2048x512xf32, #tpu.memory_space<vmem>>, vector<2048x512xf32>
    %get3A_2 = arith.constant 0 : index
    %get3A_3 = arith.constant 0 : index
    %get3A_4 = vector.load %arg3[%get3A_2, %get3A_3] : memref<20x512xf32, #tpu.memory_space<vmem>>, vector<20x512xf32>
    %dot_general3A = arith.constant dense<0.000000e+00> : vector<2048x20xf32>
    %dot_general3A_5 = tpu.matmul %get3A_1, %get3A_4, %dot_general3A {dimension_numbers = #tpu.dot_dimension_numbers<[1], [1], [0], [0], [0, 0, 1, 0], [], []>, transpose_lhs_hint = false} : vector<2048x512xf32>, vector<20x512xf32>, vector<2048x20xf32> -> vector<2048x20xf32>
    %get3A_6 = arith.constant 0 : index
    %get3A_7 = arith.constant 0 : index
    %get3A_8 = vector.load %arg2[%get3A_6, %get3A_7] : memref<2048x13xf32, #tpu.memory_space<vmem>>, vector<2048x13xf32>
    %get3A_9 = arith.constant 0 : index
    %get3A_10 = arith.constant 0 : index
    %get3A_11 = vector.load %arg4[%get3A_9, %get3A_10] : memref<20x13xf32, #tpu.memory_space<vmem>>, vector<20x13xf32>
    %dot_general3A_12 = arith.constant dense<0.000000e+00> : vector<2048x20xf32>
    %dot_general3A_13 = tpu.matmul %get3A_8, %get3A_11, %dot_general3A_12 {dimension_numbers = #tpu.dot_dimension_numbers<[1], [1], [0], [0], [0, 0, 1, 0], [], []>, transpose_lhs_hint = false} : vector<2048x13xf32>, vector<20x13xf32>, vector<2048x20xf32> -> vector<2048x20xf32>
    %add3A = arith.addf %dot_general3A_5, %dot_general3A_13 : vector<2048x20xf32>
    %get3A_14 = arith.constant 0 : index
    %get3A_15 = arith.constant 0 : index
    %get3A_16 = vector.load %arg5[%get3A_14, %get3A_15] : memref<1x20xf32, #tpu.memory_space<vmem>>, vector<1x20xf32>
    %add3A_17 = vector.broadcast %get3A_16 : vector<1x20xf32> to vector<2048x20xf32>
    %add3A_18 = arith.addf %add3A, %add3A_17 : vector<2048x20xf32>
    %max3A = arith.constant 0.000000e+00 : f32
    %max3A_19 = vector.broadcast %max3A : f32 to vector<2048x20xf32>
    %max3A_20 = arith.maximumf %add3A_18, %max3A_19 : vector<2048x20xf32>
    %get3A_21 = arith.constant 0 : index
    %get3A_22 = arith.constant 0 : index
    %get3A_23 = vector.load %arg6[%get3A_21, %get3A_22] : memref<20x20xf32, #tpu.memory_space<vmem>>, vector<20x20xf32>
    %dot_general3A_24 = arith.constant dense<0.000000e+00> : vector<2048x20xf32>
    %dot_general3A_25 = tpu.matmul %max3A_20, %get3A_23, %dot_general3A_24 {dimension_numbers = #tpu.dot_dimension_numbers<[1], [1], [0], [0], [0, 0, 1, 0], [], []>, transpose_lhs_hint = false} : vector<2048x20xf32>, vector<20x20xf32>, vector<2048x20xf32> -> vector<2048x20xf32>
    %get3A_26 = arith.constant 0 : index
    %get3A_27 = arith.constant 0 : index
    %get3A_28 = vector.load %arg7[%get3A_26, %get3A_27] : memref<1x20xf32, #tpu.memory_space<vmem>>, vector<1x20xf32>
    %add3A_29 = vector.broadcast %get3A_28 : vector<1x20xf32> to vector<2048x20xf32>
    %add3A_30 = arith.addf %dot_general3A_25, %add3A_29 : vector<2048x20xf32>
    %max3A_31 = arith.constant 0.000000e+00 : f32
    %max3A_32 = vector.broadcast %max3A_31 : f32 to vector<2048x20xf32>
    %max3A_33 = arith.maximumf %add3A_30, %max3A_32 : vector<2048x20xf32>
    %get3A_34 = arith.constant 0 : index
    %get3A_35 = arith.constant 0 : index
    %get3A_36 = vector.load %arg8[%get3A_34, %get3A_35] : memref<8x20xf32, #tpu.memory_space<vmem>>, vector<8x20xf32>
    %dot_general3A_37 = arith.constant dense<0.000000e+00> : vector<2048x8xf32>
    %dot_general3A_38 = tpu.matmul %max3A_33, %get3A_36, %dot_general3A_37 {dimension_numbers = #tpu.dot_dimension_numbers<[1], [1], [0], [0], [0, 0, 1, 0], [], []>, transpose_lhs_hint = false} : vector<2048x20xf32>, vector<8x20xf32>, vector<2048x8xf32> -> vector<2048x8xf32>
    %slice3A = vector.extract_strided_slice %dot_general3A_38 {offsets = [0, 0], sizes = [2048, 1], strides = [1, 1]} : vector<2048x8xf32> to vector<2048x1xf32>
    %get3A_39 = arith.constant 0 : index
    %get3A_40 = arith.constant 0 : index
    %get3A_41 = memref.load %arg9[%get3A_39, %get3A_40] : memref<1x1xf32, #tpu.memory_space<smem>>
    %add3A_42 = vector.broadcast %get3A_41 : f32 to vector<2048x1xf32>
    %add3A_43 = arith.addf %slice3A, %add3A_42 : vector<2048x1xf32>
    %swap3A = arith.constant 0 : index
    %swap3A_44 = arith.constant 0 : index
    %swap3A_45 = vector.load %arg10[%swap3A, %swap3A_44] : memref<2048x1xf32, #tpu.memory_space<vmem>>, vector<2048x1xf32>
    tpu.vector_store %arg10[%swap3A, %swap3A_44], %add3A_43 {strides = array<i32>} : memref<2048x1xf32, #tpu.memory_space<vmem>>, vector<2048x1xf32>,
    return
  }
  func.func @transform_0(%arg0: i32) -> (i32, i32) {
    %c0_i32 = arith.constant 0 : i32
    %c0_i32_0 = arith.constant 0 : i32
    return %arg0, %c0_i32 : i32, i32
  }
  func.func @transform_1(%arg0: i32) -> (i32, i32) {
    %c0_i32 = arith.constant 0 : i32
    %c0_i32_0 = arith.constant 0 : i32
    return %arg0, %c0_i32 : i32, i32
  }
  func.func @transform_2(%arg0: i32) -> (i32, i32) {
    %c0_i32 = arith.constant 0 : i32
    %c0_i32_0 = arith.constant 0 : i32
    %c0_i32_1 = arith.constant 0 : i32
    return %c0_i32, %c0_i32_0 : i32, i32
  }
  func.func @transform_3(%arg0: i32) -> (i32, i32) {
    %c0_i32 = arith.constant 0 : i32
    %c0_i32_0 = arith.constant 0 : i32
    %c0_i32_1 = arith.constant 0 : i32
    return %c0_i32, %c0_i32_0 : i32, i32
  }
  func.func @transform_4(%arg0: i32) -> (i32, i32) {
    %c0_i32 = arith.constant 0 : i32
    %c0_i32_0 = arith.constant 0 : i32
    %c0_i32_1 = arith.constant 0 : i32
    return %c0_i32, %c0_i32_0 : i32, i32
  }
  func.func @transform_5(%arg0: i32) -> (i32, i32) {
    %c0_i32 = arith.constant 0 : i32
    %c0_i32_0 = arith.constant 0 : i32
    %c0_i32_1 = arith.constant 0 : i32
    return %c0_i32, %c0_i32_0 : i32, i32
  }
  func.func @transform_6(%arg0: i32) -> (i32, i32) {
    %c0_i32 = arith.constant 0 : i32
    %c0_i32_0 = arith.constant 0 : i32
    %c0_i32_1 = arith.constant 0 : i32
    return %c0_i32, %c0_i32_0 : i32, i32
  }
  func.func @transform_7(%arg0: i32) -> (i32, i32) {
    %c0_i32 = arith.constant 0 : i32
    %c0_i32_0 = arith.constant 0 : i32
    %c0_i32_1 = arith.constant 0 : i32
    return %c0_i32, %c0_i32_0 : i32, i32
  }
  func.func @transform_8(%arg0: i32) -> (i32, i32) {
    %c0_i32 = arith.constant 0 : i32
    %c0_i32_0 = arith.constant 0 : i32
    %c0_i32_1 = arith.constant 0 : i32
    return %c0_i32, %c0_i32_0 : i32, i32
  }
  func.func @transform_9(%arg0: i32) -> (i32, i32) {
    %c0_i32 = arith.constant 0 : i32
    %c0_i32_0 = arith.constant 0 : i32
    return %arg0, %c0_i32 : i32, i32
  }
}

</mosaic_0001>

<sc_bundles>
// kernel: kernel.4.cloned.1.call-start
scs
__scs_entry_jumppad:
0x0: {  	(pc) =	sbr.rel $0x88, $3  }
0x1: {  	(tag) =	ssettag $0x0;
	lr =	simm.s32 $0x1  }
0x2: {  	[smem:$0x3F98] =	sst lr;
	_ =	strace $0xD0000000  }
0x3: {  	_ = 	snop  }
0x4: {  	_ = 	snop  }
0x5: {  	_ = 	snop  }
0x6: {  	_ = 	snop  }
0x7: {  	_ = 	snop  }
__scs_overlays_trampoline_lowered:
0x8: {  	[smem:$0x3FA7] =	sst s0  }
0x9: {  	[smem:$0x3FA8] =	sst s1  }
0xa: {  	[smem:$0x3FA9] =	sst s2  }
0xb: {  	[smem:$0x3FAA] =	sst s3  }
0xc: {  	[smem:$0x3FAB] =	sst s4  }
0xd: {  	[smem:$0x3FAC] =	sst s5  }
0xe: {  	[smem:$0x3FAD] =	sst s6  }
0xf: {  	[smem:$0x3FAE] =	sst s7  }
0x10: {  	[smem:$0x3FAF] =	sst s8  }
0x11: {  	[smem:$0x3FB0] =	sst s9;
	s0 =	simm.s32 @!p0 $0x0  }
0x12: {  	s1 =	sld [smem:$0x3F96];
	s0 =	simm.s32 @p0 $0x1  }
0x13: {  	[smem:$0x3FB1] =	sst s0;
	s0 =	simm.s32 @!p1 $0x0  }
0x14: {  	s2 =	sld [smem:$0x3F95];
	s0 =	simm.s32 @p1 $0x1  }
0x15: {  	[smem:$0x3FB2] =	sst s0;
	s0 =	simm.s32 @!p2 $0x0  }
0x16: {  	s3 =	sld [smem:$0x3FDB];
	s0 =	simm.s32 @p2 $0x1  }
0x17: {  	s4 =	simm.s32 $0x1BF5;
	[smem:$0x3FB4] =	sst s0  }
0x18: {  	s0 =	sld [smem:$0x3F97];
	_ =	swait.ge [sflag:s4], $0x0  }
0x19: {  	s7 =	sld [smem:$0x3F98]  }
0x1a: {  	s8 =	sadd.s32 $0xFFFFE003, lr  }
0x1b: {  	s9 =	sadd.s32 $0xFFFFFEF7, lr;
	s5 =	simm.s32 $0xFFFFFFFF;
	p2 =	slt.u32 s8, $0xFFFFF086  }
0x1c: {  	p1 =	slt.u32 s9, $0xF7A;
	s5 =	simm.s32 @!p2 $0x0  }
0x1d: {  	s5 =	simm.s32 @p1 $0x1;
	p0 =	seq.s32 s7, s2  }
0x1e: {  	s7 =	smul.u32 @!p0 $0xF7A, s2;
	p2 =	seq.s32 @!p0 s5, $0x0  }
0x1f: {  	s9 =	smul.u32 $0xF7A, s1;
	s8 =	simm.s32 @!p0 $0x1BF5;
	p2 =	por !p2, p0  }
0x20: {  	[sflag:s8] =	ssyncset.s32 @!p0 $0xFFFFF086;
	s6 =	sadd.s32 @!p0 s3, s7;
	s7 =	simm.s32 @!p0 $0x108  }
0x21: {  	s3 =	sadd.s32 s3, s9;
	s6 =	sadd.s32 @!p0 $0x88, s6;
	s7 =	simm.s32 @p2 $0x1082  }
0x22: {  	[simem:s7], [sflag:s8] =	dma.local @!p0 [hbm:s6], $0xF7A  }
0x23: {  	s9 =	sor.u32 $0xD0000000, s2;
	s6 =	simm.s32 $0x108;
	_ =	swait.ge @!p0 [sflag:s8], $0x0  }
0x24: {  	s3 =	sadd.s32 $0x88, s3;
	s6 =	simm.s32 @!p1 $0x1082;
	[sflag:s4] =	ssyncset.s32 $0xFFFFF086  }
0x25: {  	[simem:s6], [sflag:s4] =	dma.local [hbm:s3], $0xF7A  }
0x26: {  	[smem:$0x3F98] =	sst s1;
	(tag) =	ssettag s2;
	_ =	strace s9  }
0x27: {  	s1 =	sld [smem:$0x3FA8]  }
0x28: {  	s2 =	sld [smem:$0x3FA9]  }
0x29: {  	s4 =	sld [smem:$0x3FAB]  }
0x2a: {  	p0 =	seq.s32 s5, $0x0;
	s5 =	sld [smem:$0x3FAC]  }
0x2b: {  	s6 =	sld [smem:$0x3FAD]  }
0x2c: {  	s7 =	sld [smem:$0x3FAE]  }
0x2d: {  	s3 =	simm.s32 $0x108;
	s8 =	sld [smem:$0x3FAF]  }
0x2e: {  	s3 =	simm.s32 @!p0 $0x1082;
	s9 =	sld [smem:$0x3FB0]  }
0x2f: {  	lr =	sadd.s32 s0, s3;
	s0 =	sld [smem:$0x3FA7]  }
0x30: {  	s3 =	sld [smem:$0x3FAA]  }
0x31: {  	[smem:$0x3FB3] =	sst s10  }
0x32: {  	s10 =	sld [smem:$0x3FB1];
	_ =	sdelay $0x3  }
0x33: {  	p0 =	seq.s32 s10, $0x1;
	s10 =	sld [smem:$0x3FB3];
	_ =	sdelay $0x3  }
0x34: {  	[smem:$0x3FB3] =	sst s10  }
0x35: {  	s10 =	sld [smem:$0x3FB2];
	_ =	sdelay $0x3  }
0x36: {  	p1 =	seq.s32 s10, $0x1;
	s10 =	sld [smem:$0x3FB3];
	_ =	sdelay $0x3  }
0x37: {  	[smem:$0x3FB3] =	sst s10  }
0x38: {  	s10 =	sld [smem:$0x3FB4]  }
0x39: {  	_ = 	snop;
	(pc) =	sbr.ind lr, $3  }
0x3a: {  	_ = 	snop  }
0x3b: {  	_ = 	snop  }
0x3c: {  	p2 =	seq.s32 s10, $0x1;
	s10 =	sld [smem:$0x3FB3]  }
0x3d: {  	_ =	shalt  }
0x3e: {  	_ =	shalt  }
0x3f: {  	_ =	shalt  }
0x40: {  	_ =	shalt  }
0x41: {  	_ =	shalt  }
0x42: {  	_ =	shalt  }
0x43: {  	_ =	shalt  }
0x44: {  	_ =	shalt  }
0x45: {  	_ =	shalt  }
0x46: {  	_ =	shalt  }
0x47: {  	_ =	shalt  }
0x48: {  	_ =	shalt  }
0x49: {  	_ =	shalt  }
0x4a: {  	_ =	shalt  }
0x4b: {  	_ =	shalt  }
0x4c: {  	_ =	shalt  }
0x4d: {  	_ =	shalt  }
0x4e: {  	_ =	shalt  }
0x4f: {  	_ =	shalt  }
0x50: {  	_ =	shalt  }
0x51: {  	_ =	shalt  }
0x52: {  	_ =	shalt  }
0x53: {  	_ =	shalt  }
0x54: {  	_ =	shalt  }
0x55: {  	_ =	shalt  }
0x56: {  	_ =	shalt  }
0x57: {  	_ =	shalt  }
0x58: {  	_ =	shalt  }
0x59: {  	_ =	shalt  }
0x5a: {  	_ =	shalt  }
0x5b: {  	_ =	shalt  }
0x5c: {  	_ =	shalt  }
0x5d: {  	_ =	shalt  }
0x5e: {  	_ =	shalt  }
0x5f: {  	_ =	shalt  }
0x60: {  	_ =	shalt  }
0x61: {  	_ =	shalt  }
0x62: {  	_ =	shalt  }
0x63: {  	_ =	shalt  }
0x64: {  	_ =	shalt  }
0x65: {  	_ =	shalt  }
0x66: {  	_ =	shalt  }
0x67: {  	_ =	shalt  }
0x68: {  	_ =	shalt  }
0x69: {  	_ =	shalt  }
0x6a: {  	_ =	shalt  }
0x6b: {  	_ =	shalt  }
0x6c: {  	_ =	shalt  }
0x6d: {  	_ =	shalt  }
0x6e: {  	_ =	shalt  }
0x6f: {  	_ =	shalt  }
0x70: {  	_ =	shalt  }
0x71: {  	_ =	shalt  }
0x72: {  	_ =	shalt  }
0x73: {  	_ =	shalt  }
0x74: {  	_ =	shalt  }
0x75: {  	_ =	shalt  }
0x76: {  	_ =	shalt  }
0x77: {  	_ =	shalt  }
0x78: {  	_ =	shalt  }
0x79: {  	_ =	shalt  }
0x7a: {  	_ =	shalt  }
0x7b: {  	_ =	shalt  }
0x7c: {  	_ =	shalt  }
0x7d: {  	_ =	shalt  }
0x7e: {  	_ =	shalt  }
0x7f: {  	_ =	shalt  }
0x80: {  	_ =	shalt  }
0x81: {  	_ =	shalt  }
0x82: {  	_ =	shalt  }
0x83: {  	_ =	shalt  }
0x84: {  	_ =	shalt  }
0x85: {  	_ =	shalt  }
0x86: {  	_ =	shalt  }
0x87: {  	_ =	shalt  }
.Lfunc_end0:
.L_simem_size_0:
called_computation_lowered:
.L_overlay_start_0:
0x88: {  	s2 =	sld [smem:$0x3FD9]  }
0x89: {  	s3 =	sld [smem:$0x3FFE];
	_ =	sdelay $0x1  }
0x8a: {  	s1 =	srdreg.scid  }
0x8b: {  	s0 =	sand.u32 $0x1, s1  }
0x8c: {  	s16 =	sshll.u32 s0, $0xA;
	s2 =	sadd.s32 s3, s2  }
0x8d: {  	s2 =	sadd.s32 s2, s16  }
0x8e: {  	[smem:$0x3FBF] =	sst s2  }
0x8f: {  	_ = 	snop  }
0x90: {  	(tm) =	ssettm $0x1  }
0x91: {  	s17 =	sld [smem:$0x3FFB];
	_ =	sdelay $0x3  }
0x92: {  	_ =	strace s17  }
0x93: {  	s2 =	sld [smem:$0x3FFC];
	_ =	sdelay $0x3  }
0x94: {  	_ =	strace s2  }
0x95: {  	s2 =	sld [smem:$0x3FFD];
	_ =	sdelay $0x3  }
0x96: {  	_ =	strace s2  }
0x97: {  	_ =	strace $0x8FFFFFFF  }
0x98: {  	s18 =	sld [smem:$0x3FDB];
	_ =	sdelay $0x1  }
0x99: {  	s19 =	simm.s32 $_scs_section_size  }
0x9a: {  	s4 =	simm.s32 $_size__tile_overlayer_lowered;
	s5 =	simm.s32 $_tile_overlayer_lowered  }
0x9b: {  	s22 =	simm.s32 $0x1BFF;
	s21 =	sshll.u32 s5, $0x1;
	s2 =	sadd.s32 s19, s18  }
0x9c: {  	s6 =	simm.s32 $0x0;
	s20 =	sshll.u32 s4, $0x1;
	s4 =	sadd.s32 s21, s2  }
0x9d: {  	[timem:s6], [sflag:s22] =	dma.local [hbm:s4], s20  }
0x9e: {  	_ =	swait.ge [sflag:s22], s20  }
0x9f: {  	s3 =	ssub.s32 $0x0, s20;
	[sflag:s22] =	ssyncset.done $0x0  }
0xa0: {  	[sflag:s22] =	ssyncadd.s32 s3;
	_ =	sdelay $0x1  }
0xa1: {  	s23 =	simm.s32 $0x1B8B  }
0xa2: {  	_ =	swait.ge [sflag:s23], $0x1  }
0xa3: {  	[sflag:s23] =	ssyncset.done $0x0  }
0xa4: {  	s25 =	simm.s32 $0x1B8E;
	s24 =	sld [smem:$0x3FFE];
	[sflag:s23] =	ssyncadd.s32 $0xFFFFFFFF  }
0xa5: {  	s26 =	simm.s32 $execute0_lowered;
	[smem:$0x3FD2] =	sst s25  }
0xa6: {  	s4 =	sshll.u32 s26, $0x1;
	_ =	strace $0x80000046;
	[dreg:$0x1] =	wrdreg $0xFFFFFFFF  }
0xa7: {  	s28 =	simm.s32 $_size_execute0_lowered;
	s2 =	sadd.s32 s2, s4;
	[dreg:$0x0] =	wrdreg $0x0  }
0xa8: {  	s4 =	sshll.u32 s28, $0x1;
	[dreg:$0x2] =	wrdreg s2  }
0xa9: {  	[dreg:$0x3] =	wrdreg s4  }
0xaa: {  	[dreg:$0x4] =	wrdreg $0xC0  }
0xab: {  	_ =	task [dreg:s6], $0x5FFFF  }
0xac: {  	[dreg:$0x1] =	wrdreg $0xFFFFFFFF  }
0xad: {  	[dreg:$0x0] =	wrdreg $0x60  }
0xae: {  	[dreg:$0x2] =	wrdreg s24  }
0xaf: {  	[dreg:$0x3] =	wrdreg $0x9  }
0xb0: {  	_ =	task.clear_ibuf [dreg:s6], $0x4FFFF;
	_ =	strace $0x90000046  }
0xb1: {  	s29 =	simm.s32 $0x9;
	_ =	strace $0x80000048  }
0xb2: {  	_ =	swait.ge [sflag:s29], $0x1  }
0xb3: {  	[sflag:s29] =	ssyncadd.s32 $0xFFFFFFFF  }
0xb4: {  	_ =	strace $0x90000048  }
0xb5: {  	_ =	sfence  }
0xb6: {  	s30 =	sld [smem:$0x0];
	_ =	sdelay $0x2  }
0xb7: {  	s31 =	sshll.u32 s1, $0xD;
	s1 =	sshrl.u32 s1, $0x2  }
0xb8: {  	s3 =	sand.u32 $0x4000, s31;
	s1 =	sadd.s32 s1, s30  }
0xb9: {  	s0 =	sor.u32 s3, s0;
	s1 =	sshll.u32 s1, $0x11  }
0xba: {  	s0 =	sor.u32 s1, s0  }
0xbb: {  	s0 =	sadd.s32 $0x8F2B, s0  }
0xbc: {  	[sflag:s0] =	ssyncadd.remote.s32 $0x1  }
0xbd: {  	_ =	sfence.sel $0xFFFF  }
0xbe: {  	[dreg:$0x0] =	wrdreg $0xFFFFFFFF;
	(pc) =	sbr.abs _section_cstart, $3  }
0xbf: {  	[dreg:$0x1] =	wrdreg $0xFFFFFFFF  }
0xc0: {  	_ =	task.clear_ibuf [dreg:s6], $0x2FFFF;
	_ =	strace $0x9FFFFFFF  }
0xc1: {  	(tm) =	ssettm $0x7FFFFFFF  }
tec
execute0_lowered:
.L_overlay_start_1:
0x0: {  	(tag) =	ssettag $0x1  }
0x1: {  	s1 =	srdreg.scid;
	s0 =	stileid.u32  }
0x2: {  	s8 =	rddreg [dreg:$0x0];
	s14 =	sand.u32 $0x1, s1;
	s3 =	sshll.u32 s0, $0x1  }
0x3: {  	s2 =	simm.s32 $0x0;
	s1 =	rddreg [dreg:$0x1];
	s9 =	sor.u32 s14, s3  }
0x4: {  	[smem:$0x7FF] =	sst s2;
	s13 =	sadd.s32 $0x1400, s8;
	s3 =	sshll.u32 s9, $0xB  }
0x5: {  	_ =	strace $0x80000047;
	s4 =	sadd.s32 s13, s3;
	s3 =	simm.s32 $0x2  }
0x6: {  	[tilespmem:s2], [sflag:$0x2] =	stream.linear.gather [hbm4b:s4+s2], $0x1000, $0x38;
	[tilespmem:$0x11000] =	vst v63  }
0x7: {  	_ =	swait.ge [sflag:s3], $0x1000  }
0x8: {  	s6 =	simm.s32 $0x1000;
	[sflag:s3] =	ssyncset.done $0x0  }
0x9: {  	s7 =	simm.s32 $0x1;
	s5 =	sadd.s32 $0x27AD800, s8;
	[sflag:s3] =	ssyncadd.s32 $0xFFFFF000  }
0xa: {  	[tilespmem:s6], [sflag:$0x1] =	stream.indirect.gather [hbm4b:s5+s6], $0x10, s2, s6, $0xb8;
	[tilespmem:$0x11000] =	vst v63  }
0xb: {  	_ =	swait.ge [sflag:s7], $0x10000  }
0xc: {  	s15 =	sadd.s32 $0x11400, s8;
	s26 =	sshll.u32 s9, $0xF;
	[sflag:s7] =	ssyncset.done $0x0  }
0xd: {  	s16 =	sshll.u32 s9, $0xE;
	s8 =	sadd.s32 s15, s26;
	[sflag:s7] =	ssyncadd.s32 $0xFFFF0000  }
0xe: {  	[hbm4b:s8+s2] =	stream.linear.scatter [tilespmem:s6], [sflag:$0x2], $0x10000, $0x38;
	[tilespmem:$0x11000] =	vst v63  }
0xf: {  	s10 =	sor.u32 $0x1000, s16;
	_ =	swait.ge [sflag:s3], $0x10000  }
0x10: {  	s28 =	sshrl.u32 s10, $0x3;
	[sflag:s3] =	ssyncset.done $0x0  }
0x11: {  	s9 =	sadd.s32 s13, s28;
	[sflag:s3] =	ssyncadd.s32 $0xFFFF0000  }
0x12: {  	[tilespmem:s2], [sflag:$0x2] =	stream.linear.gather [hbm4b:s9+s2], $0x1000, $0x38;
	[tilespmem:$0x11000] =	vst v63  }
0x13: {  	_ =	swait.ge [sflag:s3], $0x1000  }
0x14: {  	[sflag:s3] =	ssyncset.done $0x0  }
0x15: {  	[sflag:s3] =	ssyncadd.s32 $0xFFFFF000  }
0x16: {  	[tilespmem:s6], [sflag:$0x1] =	stream.indirect.gather [hbm4b:s5+s6], $0x10, s2, s6, $0xb8;
	[tilespmem:$0x11000] =	vst v63  }
0x17: {  	_ =	swait.ge [sflag:s7], $0x10000  }
0x18: {  	s10 =	sshll.u32 s10, $0x1;
	[sflag:s7] =	ssyncset.done $0x0  }
0x19: {  	s10 =	sadd.s32 s15, s10;
	[sflag:s7] =	ssyncadd.s32 $0xFFFF0000  }
0x1a: {  	[hbm4b:s10+s2] =	stream.linear.scatter [tilespmem:s6], [sflag:$0x2], $0x10000, $0x38;
	[tilespmem:$0x11000] =	vst v63  }
0x1b: {  	s12 =	sor.u32 $0x2000, s16;
	_ =	swait.ge [sflag:s3], $0x10000  }
0x1c: {  	s11 =	sshrl.u32 s12, $0x3;
	[sflag:s3] =	ssyncset.done $0x0  }
0x1d: {  	s11 =	sadd.s32 s13, s11;
	[sflag:s3] =	ssyncadd.s32 $0xFFFF0000  }
0x1e: {  	[tilespmem:s2], [sflag:$0x2] =	stream.linear.gather [hbm4b:s11+s2], $0x1000, $0x38;
	[tilespmem:$0x11000] =	vst v63  }
0x1f: {  	_ =	swait.ge [sflag:s3], $0x1000  }
0x20: {  	[sflag:s3] =	ssyncset.done $0x0  }
0x21: {  	[sflag:s3] =	ssyncadd.s32 $0xFFFFF000  }
0x22: {  	[tilespmem:s6], [sflag:$0x1] =	stream.indirect.gather [hbm4b:s5+s6], $0x10, s2, s6, $0xb8;
	[tilespmem:$0x11000] =	vst v63  }
0x23: {  	_ =	swait.ge [sflag:s7], $0x10000  }
0x24: {  	s12 =	sshll.u32 s12, $0x1;
	[sflag:s7] =	ssyncset.done $0x0  }
0x25: {  	s12 =	sadd.s32 s15, s12;
	[sflag:s7] =	ssyncadd.s32 $0xFFFF0000  }
0x26: {  	[hbm4b:s12+s2] =	stream.linear.scatter [tilespmem:s6], [sflag:$0x2], $0x10000, $0x38;
	[tilespmem:$0x11000] =	vst v63  }
0x27: {  	s16 =	sor.u32 $0x3000, s16;
	_ =	swait.ge [sflag:s3], $0x10000  }
0x28: {  	s17 =	sshrl.u32 s16, $0x3;
	[sflag:s3] =	ssyncset.done $0x0  }
0x29: {  	s14 =	ssub.s32 $0x2, s14;
	s13 =	sadd.s32 s13, s17;
	[sflag:s3] =	ssyncadd.s32 $0xFFFF0000  }
0x2a: {  	[tilespmem:s2], [sflag:$0x2] =	stream.linear.gather [hbm4b:s13+s2], $0x1000, $0x38;
	[tilespmem:$0x11000] =	vst v63  }
0x2b: {  	s29 =	sshrl.u32 s14, $0x1;
	_ =	swait.ge [sflag:s3], $0x1000  }
0x2c: {  	s17 =	ssub.s32 s14, s29;
	[sflag:s3] =	ssyncset.done $0x0  }
0x2d: {  	s31 =	smax.u32 s17, $0x1;
	[sflag:s3] =	ssyncadd.s32 $0xFFFFF000  }
0x2e: {  	[tilespmem:s6], [sflag:$0x1] =	stream.indirect.gather [hbm4b:s5+s6], $0x10, s2, s6, $0xb8;
	[tilespmem:$0x11000] =	vst v63  }
0x2f: {  	p0 =	sne.s32 s31, $0x1;
	_ =	swait.ge [sflag:s7], $0x10000  }
.Ltmp0:
0x30: {  	s30 =	sshll.u32 s16, $0x1;
	[sflag:s7] =	ssyncset.done $0x0;
	(pc) =	sbr.rel @!p0 .LBB2_2-.Ltmp0, $4  }
0x31: {  	s14 =	sadd.s32 s15, s30;
	[sflag:s7] =	ssyncadd.s32 $0xFFFF0000  }
0x32: {  	[hbm4b:s14+s2] =	stream.linear.scatter [tilespmem:s6], [sflag:$0x2], $0x10000, $0x38;
	[tilespmem:$0x11000] =	vst v63  }
0x33: {  	_ =	swait.ge [sflag:s3], $0x10000  }
0x34: {  	s15 =	sadd.s32 $0xFFFFFFFF, s31;
	[sflag:s3] =	ssyncset.done $0x0  }
.LBB2_1:
0x35: {  	p0 =	sne.s32 s15, $0x1;
	s15 =	sadd.s32 $0xFFFFFFFF, s15;
	[sflag:s3] =	ssyncadd.s32 $0xFFFF0000  }
0x36: {  	[tilespmem:s2], [sflag:$0x2] =	stream.linear.gather [hbm4b:s4+s2], $0x1000, $0x38;
	[tilespmem:$0x11000] =	vst v63  }
0x37: {  	_ =	swait.ge [sflag:s3], $0x1000  }
0x38: {  	[sflag:s3] =	ssyncset.done $0x0  }
0x39: {  	[sflag:s3] =	ssyncadd.s32 $0xFFFFF000  }
0x3a: {  	[tilespmem:s6], [sflag:$0x1] =	stream.indirect.gather [hbm4b:s5+s6], $0x10, s2, s6, $0xb8;
	[tilespmem:$0x11000] =	vst v63  }
0x3b: {  	_ =	swait.ge [sflag:s7], $0x10000  }
0x3c: {  	[sflag:s7] =	ssyncset.done $0x0  }
0x3d: {  	[sflag:s7] =	ssyncadd.s32 $0xFFFF0000  }
0x3e: {  	[hbm4b:s8+s2] =	stream.linear.scatter [tilespmem:s6], [sflag:$0x2], $0x10000, $0x38;
	[tilespmem:$0x11000] =	vst v63  }
0x3f: {  	_ =	swait.ge [sflag:s3], $0x10000  }
0x40: {  	[sflag:s3] =	ssyncset.done $0x0  }
0x41: {  	[sflag:s3] =	ssyncadd.s32 $0xFFFF0000  }
0x42: {  	[tilespmem:s2], [sflag:$0x2] =	stream.linear.gather [hbm4b:s9+s2], $0x1000, $0x38;
	[tilespmem:$0x11000] =	vst v63  }
0x43: {  	_ =	swait.ge [sflag:s3], $0x1000  }
0x44: {  	[sflag:s3] =	ssyncset.done $0x0  }
0x45: {  	[sflag:s3] =	ssyncadd.s32 $0xFFFFF000  }
0x46: {  	[tilespmem:s6], [sflag:$0x1] =	stream.indirect.gather [hbm4b:s5+s6], $0x10, s2, s6, $0xb8;
	[tilespmem:$0x11000] =	vst v63  }
0x47: {  	_ =	swait.ge [sflag:s7], $0x10000  }
0x48: {  	[sflag:s7] =	ssyncset.done $0x0  }
0x49: {  	[sflag:s7] =	ssyncadd.s32 $0xFFFF0000  }
0x4a: {  	[hbm4b:s10+s2] =	stream.linear.scatter [tilespmem:s6], [sflag:$0x2], $0x10000, $0x38;
	[tilespmem:$0x11000] =	vst v63  }
0x4b: {  	_ =	swait.ge [sflag:s3], $0x10000  }
0x4c: {  	[sflag:s3] =	ssyncset.done $0x0  }
0x4d: {  	[sflag:s3] =	ssyncadd.s32 $0xFFFF0000  }
0x4e: {  	[tilespmem:s2], [sflag:$0x2] =	stream.linear.gather [hbm4b:s11+s2], $0x1000, $0x38;
	[tilespmem:$0x11000] =	vst v63  }
0x4f: {  	_ =	swait.ge [sflag:s3], $0x1000  }
0x50: {  	[sflag:s3] =	ssyncset.done $0x0  }
0x51: {  	[sflag:s3] =	ssyncadd.s32 $0xFFFFF000  }
0x52: {  	[tilespmem:s6], [sflag:$0x1] =	stream.indirect.gather [hbm4b:s5+s6], $0x10, s2, s6, $0xb8;
	[tilespmem:$0x11000] =	vst v63  }
0x53: {  	_ =	swait.ge [sflag:s7], $0x10000  }
0x54: {  	[sflag:s7] =	ssyncset.done $0x0  }
0x55: {  	[sflag:s7] =	ssyncadd.s32 $0xFFFF0000  }
0x56: {  	[hbm4b:s12+s2] =	stream.linear.scatter [tilespmem:s6], [sflag:$0x2], $0x10000, $0x38;
	[tilespmem:$0x11000] =	vst v63  }
0x57: {  	_ =	swait.ge [sflag:s3], $0x10000  }
0x58: {  	[sflag:s3] =	ssyncset.done $0x0  }
0x59: {  	[sflag:s3] =	ssyncadd.s32 $0xFFFF0000  }
0x5a: {  	[tilespmem:s2], [sflag:$0x2] =	stream.linear.gather [hbm4b:s13+s2], $0x1000, $0x38;
	[tilespmem:$0x11000] =	vst v63  }
0x5b: {  	_ =	swait.ge [sflag:s3], $0x1000  }
0x5c: {  	[sflag:s3] =	ssyncset.done $0x0  }
0x5d: {  	[sflag:s3] =	ssyncadd.s32 $0xFFFFF000  }
0x5e: {  	[tilespmem:s6], [sflag:$0x1] =	stream.indirect.gather [hbm4b:s5+s6], $0x10, s2, s6, $0xb8;
	[tilespmem:$0x11000] =	vst v63  }
0x5f: {  	_ =	swait.ge [sflag:s7], $0x10000  }
.Ltmp1:
0x60: {  	[sflag:s7] =	ssyncset.done $0x0;
	(pc) =	sbr.rel @p0 .LBB2_1-.Ltmp1, $4  }
0x61: {  	[sflag:s7] =	ssyncadd.s32 $0xFFFF0000  }
0x62: {  	[hbm4b:s14+s2] =	stream.linear.scatter [tilespmem:s6], [sflag:$0x2], $0x10000, $0x38;
	[tilespmem:$0x11000] =	vst v63  }
0x63: {  	_ =	swait.ge [sflag:s3], $0x10000  }
0x64: {  	[sflag:s3] =	ssyncset.done $0x0  }
.LBB2_2:
0x65: {  	[sflag:s3] =	ssyncadd.s32 $0xFFFF0000  }
0x66: {  	_ =	sfence.sel $0x180000  }
0x67: {  	[bflag:$0x0] =	sbarrier.arrive $0xFFFF  }
0x68: {  	p0 =	sne.s32 s0, $0x0;
	_ =	strace $0x90000047  }
0x69: {  	s0 =	sadd.s32 @!p0 $0x100000, s1;
	[bflag:$0x2] =	sbarrier.arrive $0xFFFF  }
0x6a: {  	[sflag:s0] =	ssyncadd.tile.s32 @!p0 $0x1;
	_ =	shalt  }
.Lfunc_end2:
_tile_overlayer_lowered:
.L_overlay_start_2:
0x6b: {  	(tag) =	ssettag $0x2  }
0x6c: {  	s0 =	rddreg [dreg:$0x0];
	s2 =	stileid.u32  }
0x6d: {  	s1 =	rddreg [dreg:$0x1];
	p0 =	sne.s32 s2, $0x0  }
0x6e: {  	s3 =	rddreg [dreg:$0x2];
	[bflag:$0x3] =	sbarrier.arrive $0xFFFF;
	s2 =	simm.s32 @!p0 $0x1C02  }
0x6f: {  	[timem:s3], [sflag:s2] =	dma.local @!p0 [hbm:s0], s1  }
0x70: {  	s0 =	simm.s32 @!p0 $0x2  }
0x71: {  	_ =	swait.ge @!p0 [sflag:s0], s1  }
0x72: {  	s1 =	ssub.s32 @!p0 $0x0, s1;
	[sflag:s0] =	ssyncset.done @!p0 $0x0  }
0x73: {  	[sflag:s0] =	ssyncadd.s32 @!p0 s1  }
0x74: {  	[bflag:$0x3] =	sbarrier.arrive $0xFFFF  }
0x75: {  	_ =	shalt  }

</sc_bundles>
